<compile_context>
chip_gen: v7x
topology: tpu7x:2x2x1
jax: 0.10.2.dev20260603
libtpu: 0.0.44.dev20260713+nightly
codegen_flags: <defaults>
</compile_context>

<pallas_src>
import functools

import jax
import jax.numpy as jnp
from jax import lax
from jax.experimental import pallas as pl
from jax.experimental.pallas import tpu as pltpu
from jax.experimental.pallas import tpu_sc as plsc

_D = 300
_CONC = 219
_B = 4096
_L = 200
_ROWS_BLK = 4096
_NC, _NS = 2, 16
_NW = _NC * _NS
_RPW = _B // _NW
_GRP = _RPW // 16


def _tv_body(tab_ref, w_ref, out_ref):
    out_ref[...] = jnp.sum(tab_ref[...] * w_ref[0, :][None, :], axis=1)


def _make_tv(n_blocks):
    return pl.pallas_call(
        _tv_body,
        grid=(n_blocks,),
        in_specs=[
            pl.BlockSpec((_ROWS_BLK, _D), lambda i: (i, 0)),
            pl.BlockSpec((1, _D), lambda i: (0, 0)),
        ],
        out_specs=pl.BlockSpec((_ROWS_BLK,), lambda i: (i,)),
        out_shape=jax.ShapeDtypeStruct((n_blocks * _ROWS_BLK,), jnp.float32),
    )


def _pd_body(pos_ref, w_ref, b_ref, out_ref):
    out_ref[0, :] = (
        jnp.sum(pos_ref[...] * w_ref[0, :][None, :], axis=1) + b_ref[0, 0]
    )


def _make_pd():
    return pl.pallas_call(
        _pd_body,
        in_specs=[
            pl.BlockSpec((_B, _CONC), lambda: (0, 0)),
            pl.BlockSpec((1, _CONC), lambda: (0, 0)),
            pl.BlockSpec((1, 1), lambda: (0, 0)),
        ],
        out_specs=pl.BlockSpec((1, _B), lambda: (0, 0)),
        out_shape=jax.ShapeDtypeStruct((1, _B), jnp.float32),
    )


def _make_sc(vpad):
    mesh = plsc.VectorSubcoreMesh(
        core_axis_name="c", subcore_axis_name="s",
        num_cores=_NC, num_subcores=_NS,
    )

    @functools.partial(
        pl.kernel,
        mesh=mesh,
        compiler_params=pltpu.CompilerParams(needs_layout_passes=False),
        out_type=jax.ShapeDtypeStruct((_B,), jnp.float32),
        scratch_types=[
            pltpu.VMEM((vpad,), jnp.float32),
            pltpu.VMEM((_RPW * _L,), jnp.int32),
            pltpu.VMEM((_RPW,), jnp.float32),
            pltpu.VMEM((_RPW,), jnp.float32),
        ],
    )
    def sc_fn(x_hbm, tv_hbm, posb_hbm, out_hbm, tv_v, idx_v, pd_v, out_v):
        wid = lax.axis_index("s") * _NC + lax.axis_index("c")
        base = wid * _RPW
        pltpu.sync_copy(tv_hbm, tv_v)
        pltpu.sync_copy(x_hbm.at[pl.ds(base * _L, _RPW * _L)], idx_v)
        pltpu.sync_copy(posb_hbm.at[pl.ds(base, _RPW)], pd_v)

        rowbase = [
            (lax.iota(jnp.int32, 16) + g * 16) * _L for g in range(_GRP)
        ]

        def l_body(l, accs):
            lv = jnp.full((16,), l, jnp.int32)
            new = []
            for g in range(_GRP):
                ids = plsc.load_gather(idx_v, [rowbase[g] + lv])
                new.append(accs[g] + plsc.load_gather(tv_v, [ids]))
            return tuple(new)

        zero = jnp.zeros((16,), jnp.float32)
        accs = lax.fori_loop(0, _L, l_body, (zero,) * _GRP)
        for g in range(_GRP):
            out_v[pl.ds(g * 16, 16)] = (
                accs[g] * jnp.float32(1.0 / _L) + pd_v[pl.ds(g * 16, 16)]
            )
        pltpu.sync_copy(out_v, out_hbm.at[pl.ds(base, _RPW)])

    return sc_fn


def kernel(x, pos, batch_size, table, W, b):
    B, L = x.shape
    rows, D = table.shape
    conc = pos.shape[2]
    assert (B, L, D, conc) == (_B, _L, _D, _CONC)

    n_blocks = pl.cdiv(rows, _ROWS_BLK)
    vpad = n_blocks * _ROWS_BLK

    w_emb = W[:D, 0].reshape(1, D)
    w_pos = W[D:, 0].reshape(1, conc)

    tv = _make_tv(n_blocks)(table, w_emb)
    posb = _make_pd()(pos.reshape(B, conc), w_pos, b.reshape(1, 1)).reshape(B)

    return _make_sc(vpad)(x.astype(jnp.int32).reshape(B * L), tv, posb)

# --- scband reference (transcript-rebuilt; emitter-appended) ---
"""Pipeline reference for scband-lr-38268158607998 (READ-ONLY COPY).

The authoritative reference and input builder live on the scoring server;
editing this copy changes nothing except your own understanding.
"""

import jax, jax.numpy as jnp
import numpy as np

VOCAB = 100000
TABLE_ROWS = VOCAB + 2  # voc_size + 2 as in init_embedding
D = 300
CONC = 219
B = 4096
L = 200


def setup_inputs(seed: int = 0) -> dict:
    key = jax.random.key(seed)
    k1, k2, k3, k4 = jax.random.split(key, 4)
    x = jax.random.randint(k1, (B, L), 0, VOCAB, dtype=jnp.int64 if jax.config.jax_enable_x64 else jnp.int32)
    pos = jax.random.normal(k2, (B, 1, CONC), dtype=jnp.float32)
    # learned / loaded parameters
    table = jax.random.normal(k3, (TABLE_ROWS, D), dtype=jnp.float32) * 0.02  # frozen embedding matrix
    W = jax.random.normal(k4, (D + CONC, 1), dtype=jnp.float32) * 0.02        # nn.Linear(D+conc, 1) weight (transposed)
    b = jnp.zeros((1,), dtype=jnp.float32)
    return {"x": x, "pos": pos, "batch_size": B, "table": table, "W": W, "b": b}


def reference(x, pos, batch_size, table, W, b):
    # x = self.embeddings(x)
    emb = jnp.take(table, x, axis=0)            # [B, L, D] gather
    # x = torch.mean(x, dim=1)
    xm = jnp.mean(emb, axis=1)                  # [B, D]
    # pos = pos.squeeze(1)
    posq = jnp.squeeze(pos, axis=1)             # [B, conc]
    # embed and add_features branch: linear(cat((x, pos), 1))
    cat = jnp.concatenate([xm, posq], axis=1)   # [B, D+conc]
    out = cat @ W + b                           # [B, 1]
    # out.squeeze(1)
    return jnp.squeeze(out, axis=1)             # [B]

if __name__ == "__main__":
    import jax
    _d = setup_inputs()
    print(jax.jit(kernel)(*tuple(_d.values())))

</pallas_src>

<mosaic_0001>
#map = affine_map<(d0, d1) -> (0)>
module attributes {stable_mosaic.version = 14 : i64} {
  func.func @sc_fn(%arg0: i32, %arg1: i32, %arg2: memref<819200xi32, #tpu.memory_space<hbm>>, %arg3: memref<102400xf32, #tpu.memory_space<hbm>>, %arg4: memref<4096xf32, #tpu.memory_space<hbm>>, %arg5: memref<4096xf32, #tpu.memory_space<hbm>>, %arg6: memref<102400xf32, #tpu.memory_space<vmem>>, %arg7: memref<25600xi32, #tpu.memory_space<vmem>>, %arg8: memref<128xf32, #tpu.memory_space<vmem>>, %arg9: memref<128xf32, #tpu.memory_space<vmem>>) attributes {dimension_semantics = [#tpu.dimension_semantics<core_parallel>, #tpu.dimension_semantics<subcore_parallel>], iteration_bounds = array<i64: 2, 16>, scalar_prefetch = 0 : i64, scratch_operands = 4 : i64, tpu.core_type = #tpu.core_type<sc_vector_subcore>, window_params = [{transform_indices = #map}, {transform_indices = #map}, {transform_indices = #map}, {transform_indices = #map}]} {
    %mul3A = arith.constant 2 : i32
    %mul3A_0 = arith.muli %arg1, %mul3A : i32
    %add3A = arith.addi %mul3A_0, %arg0 : i32
    %mul3A_1 = arith.constant 128 : i32
    %mul3A_2 = arith.muli %add3A, %mul3A_1 : i32
    "tpu.region"() ({
      %run_scoped3A = tpu.sem_alloc : memref<!tpu.dma_semaphore, #tpu.memory_space<semaphore_mem>>
      tpu.enqueue_dma source(%arg3 : memref<102400xf32, #tpu.memory_space<hbm>>) target(%arg6 : memref<102400xf32, #tpu.memory_space<vmem>>) target_semaphore(%run_scoped3A : memref<!tpu.dma_semaphore, #tpu.memory_space<semaphore_mem>>)
      tpu.wait_dma2 semaphore(%run_scoped3A : memref<!tpu.dma_semaphore, #tpu.memory_space<semaphore_mem>>) src(%arg3 : memref<102400xf32, #tpu.memory_space<hbm>>) dst(%arg6 : memref<102400xf32, #tpu.memory_space<vmem>>)
      tpu.yield
    }) : () -> ()
    %mul3A_3 = arith.constant 200 : i32
    %mul3A_4 = arith.muli %mul3A_2, %mul3A_3 : i32
    "tpu.region"() ({
      %run_scoped3A = tpu.sem_alloc : memref<!tpu.dma_semaphore, #tpu.memory_space<semaphore_mem>>
      %dma_start3A = tpu.memref_slice %arg2[%mul3A_4] : memref<819200xi32, #tpu.memory_space<hbm>> -> memref<25600xi32, #tpu.memory_space<hbm>>
      %dma_start3A_128 = tpu.memref_slice %arg2[%mul3A_4] : memref<819200xi32, #tpu.memory_space<hbm>> -> memref<25600xi32, #tpu.memory_space<hbm>>
      tpu.enqueue_dma source(%dma_start3A_128 : memref<25600xi32, #tpu.memory_space<hbm>>) target(%arg7 : memref<25600xi32, #tpu.memory_space<vmem>>) target_semaphore(%run_scoped3A : memref<!tpu.dma_semaphore, #tpu.memory_space<semaphore_mem>>)
      %dma_wait3A = tpu.memref_slice %arg2[%mul3A_4] : memref<819200xi32, #tpu.memory_space<hbm>> -> memref<25600xi32, #tpu.memory_space<hbm>>
      %dma_wait3A_129 = tpu.memref_slice %arg2[%mul3A_4] : memref<819200xi32, #tpu.memory_space<hbm>> -> memref<25600xi32, #tpu.memory_space<hbm>>
      tpu.wait_dma2 semaphore(%run_scoped3A : memref<!tpu.dma_semaphore, #tpu.memory_space<semaphore_mem>>) src(%dma_wait3A_129 : memref<25600xi32, #tpu.memory_space<hbm>>) dst(%arg7 : memref<25600xi32, #tpu.memory_space<vmem>>)
      tpu.yield
    }) : () -> ()
    "tpu.region"() ({
      %run_scoped3A = tpu.sem_alloc : memref<!tpu.dma_semaphore, #tpu.memory_space<semaphore_mem>>
      %dma_start3A = tpu.memref_slice %arg4[%mul3A_2] : memref<4096xf32, #tpu.memory_space<hbm>> -> memref<128xf32, #tpu.memory_space<hbm>>
      %dma_start3A_128 = tpu.memref_slice %arg4[%mul3A_2] : memref<4096xf32, #tpu.memory_space<hbm>> -> memref<128xf32, #tpu.memory_space<hbm>>
      tpu.enqueue_dma source(%dma_start3A_128 : memref<128xf32, #tpu.memory_space<hbm>>) target(%arg8 : memref<128xf32, #tpu.memory_space<vmem>>) target_semaphore(%run_scoped3A : memref<!tpu.dma_semaphore, #tpu.memory_space<semaphore_mem>>)
      %dma_wait3A = tpu.memref_slice %arg4[%mul3A_2] : memref<4096xf32, #tpu.memory_space<hbm>> -> memref<128xf32, #tpu.memory_space<hbm>>
      %dma_wait3A_129 = tpu.memref_slice %arg4[%mul3A_2] : memref<4096xf32, #tpu.memory_space<hbm>> -> memref<128xf32, #tpu.memory_space<hbm>>
      tpu.wait_dma2 semaphore(%run_scoped3A : memref<!tpu.dma_semaphore, #tpu.memory_space<semaphore_mem>>) src(%dma_wait3A_129 : memref<128xf32, #tpu.memory_space<hbm>>) dst(%arg8 : memref<128xf32, #tpu.memory_space<vmem>>)
      tpu.yield
    }) : () -> ()
    %iota3A = tpu.iota {dimensions = array<i32: 0>} : vector<16xi32>
    %add3A_5 = arith.constant 0 : i32
    %add3A_6 = vector.broadcast %add3A_5 : i32 to vector<16xi32>
    %add3A_7 = arith.addi %iota3A, %add3A_6 : vector<16xi32>
    %mul3A_8 = arith.constant 200 : i32
    %mul3A_9 = vector.broadcast %mul3A_8 : i32 to vector<16xi32>
    %mul3A_10 = arith.muli %add3A_7, %mul3A_9 : vector<16xi32>
    %iota3A_11 = tpu.iota {dimensions = array<i32: 0>} : vector<16xi32>
    %add3A_12 = arith.constant 16 : i32
    %add3A_13 = vector.broadcast %add3A_12 : i32 to vector<16xi32>
    %add3A_14 = arith.addi %iota3A_11, %add3A_13 : vector<16xi32>
    %mul3A_15 = arith.constant 200 : i32
    %mul3A_16 = vector.broadcast %mul3A_15 : i32 to vector<16xi32>
    %mul3A_17 = arith.muli %add3A_14, %mul3A_16 : vector<16xi32>
    %iota3A_18 = tpu.iota {dimensions = array<i32: 0>} : vector<16xi32>
    %add3A_19 = arith.constant 32 : i32
    %add3A_20 = vector.broadcast %add3A_19 : i32 to vector<16xi32>
    %add3A_21 = arith.addi %iota3A_18, %add3A_20 : vector<16xi32>
    %mul3A_22 = arith.constant 200 : i32
    %mul3A_23 = vector.broadcast %mul3A_22 : i32 to vector<16xi32>
    %mul3A_24 = arith.muli %add3A_21, %mul3A_23 : vector<16xi32>
    %iota3A_25 = tpu.iota {dimensions = array<i32: 0>} : vector<16xi32>
    %add3A_26 = arith.constant 48 : i32
    %add3A_27 = vector.broadcast %add3A_26 : i32 to vector<16xi32>
    %add3A_28 = arith.addi %iota3A_25, %add3A_27 : vector<16xi32>
    %mul3A_29 = arith.constant 200 : i32
    %mul3A_30 = vector.broadcast %mul3A_29 : i32 to vector<16xi32>
    %mul3A_31 = arith.muli %add3A_28, %mul3A_30 : vector<16xi32>
    %iota3A_32 = tpu.iota {dimensions = array<i32: 0>} : vector<16xi32>
    %add3A_33 = arith.constant 64 : i32
    %add3A_34 = vector.broadcast %add3A_33 : i32 to vector<16xi32>
    %add3A_35 = arith.addi %iota3A_32, %add3A_34 : vector<16xi32>
    %mul3A_36 = arith.constant 200 : i32
    %mul3A_37 = vector.broadcast %mul3A_36 : i32 to vector<16xi32>
    %mul3A_38 = arith.muli %add3A_35, %mul3A_37 : vector<16xi32>
    %iota3A_39 = tpu.iota {dimensions = array<i32: 0>} : vector<16xi32>
    %add3A_40 = arith.constant 80 : i32
    %add3A_41 = vector.broadcast %add3A_40 : i32 to vector<16xi32>
    %add3A_42 = arith.addi %iota3A_39, %add3A_41 : vector<16xi32>
    %mul3A_43 = arith.constant 200 : i32
    %mul3A_44 = vector.broadcast %mul3A_43 : i32 to vector<16xi32>
    %mul3A_45 = arith.muli %add3A_42, %mul3A_44 : vector<16xi32>
    %iota3A_46 = tpu.iota {dimensions = array<i32: 0>} : vector<16xi32>
    %add3A_47 = arith.constant 96 : i32
    %add3A_48 = vector.broadcast %add3A_47 : i32 to vector<16xi32>
    %add3A_49 = arith.addi %iota3A_46, %add3A_48 : vector<16xi32>
    %mul3A_50 = arith.constant 200 : i32
    %mul3A_51 = vector.broadcast %mul3A_50 : i32 to vector<16xi32>
    %mul3A_52 = arith.muli %add3A_49, %mul3A_51 : vector<16xi32>
    %iota3A_53 = tpu.iota {dimensions = array<i32: 0>} : vector<16xi32>
    %add3A_54 = arith.constant 112 : i32
    %add3A_55 = vector.broadcast %add3A_54 : i32 to vector<16xi32>
    %add3A_56 = arith.addi %iota3A_53, %add3A_55 : vector<16xi32>
    %mul3A_57 = arith.constant 200 : i32
    %mul3A_58 = vector.broadcast %mul3A_57 : i32 to vector<16xi32>
    %mul3A_59 = arith.muli %add3A_56, %mul3A_58 : vector<16xi32>
    %broadcast_in_dim3A = arith.constant 0.000000e+00 : f32
    %broadcast_in_dim3A_60 = vector.broadcast %broadcast_in_dim3A : f32 to vector<16xf32>
    %scan3A = arith.constant 0 : i32
    %scan3A_61 = arith.constant 200 : i32
    %scan3A_62 = arith.addi %scan3A, %scan3A_61 : i32
    %scan3A_63 = arith.constant 1 : i32
    %scan3A_64:8 = scf.for %scan3A_128 = %scan3A to %scan3A_62 step %scan3A_63 iter_args(%scan3A_129 = %broadcast_in_dim3A_60, %scan3A_130 = %broadcast_in_dim3A_60, %scan3A_131 = %broadcast_in_dim3A_60, %scan3A_132 = %broadcast_in_dim3A_60, %scan3A_133 = %broadcast_in_dim3A_60, %scan3A_134 = %broadcast_in_dim3A_60, %scan3A_135 = %broadcast_in_dim3A_60, %scan3A_136 = %broadcast_in_dim3A_60) -> (vector<16xf32>, vector<16xf32>, vector<16xf32>, vector<16xf32>, vector<16xf32>, vector<16xf32>, vector<16xf32>, vector<16xf32>)  : i32 {
      %broadcast_in_dim3A_137 = vector.broadcast %scan3A_128 : i32 to vector<16xi32>
      %add3A_138 = arith.addi %mul3A_10, %broadcast_in_dim3A_137 : vector<16xi32>
      %gather3A = tpu.vector_load_idx %arg7[%add3A_138] : memref<25600xi32, #tpu.memory_space<vmem>>[vector<16xi32>], vector<16xi32>,
      %gather3A_139 = tpu.vector_load_idx %arg6[%gather3A] : memref<102400xf32, #tpu.memory_space<vmem>>[vector<16xi32>], vector<16xf32>,
      %add3A_140 = arith.addf %scan3A_129, %gather3A_139 : vector<16xf32>
      %add3A_141 = arith.addi %mul3A_17, %broadcast_in_dim3A_137 : vector<16xi32>
      %gather3A_142 = tpu.vector_load_idx %arg7[%add3A_141] : memref<25600xi32, #tpu.memory_space<vmem>>[vector<16xi32>], vector<16xi32>,
      %gather3A_143 = tpu.vector_load_idx %arg6[%gather3A_142] : memref<102400xf32, #tpu.memory_space<vmem>>[vector<16xi32>], vector<16xf32>,
      %add3A_144 = arith.addf %scan3A_130, %gather3A_143 : vector<16xf32>
      %add3A_145 = arith.addi %mul3A_24, %broadcast_in_dim3A_137 : vector<16xi32>
      %gather3A_146 = tpu.vector_load_idx %arg7[%add3A_145] : memref<25600xi32, #tpu.memory_space<vmem>>[vector<16xi32>], vector<16xi32>,
      %gather3A_147 = tpu.vector_load_idx %arg6[%gather3A_146] : memref<102400xf32, #tpu.memory_space<vmem>>[vector<16xi32>], vector<16xf32>,
      %add3A_148 = arith.addf %scan3A_131, %gather3A_147 : vector<16xf32>
      %add3A_149 = arith.addi %mul3A_31, %broadcast_in_dim3A_137 : vector<16xi32>
      %gather3A_150 = tpu.vector_load_idx %arg7[%add3A_149] : memref<25600xi32, #tpu.memory_space<vmem>>[vector<16xi32>], vector<16xi32>,
      %gather3A_151 = tpu.vector_load_idx %arg6[%gather3A_150] : memref<102400xf32, #tpu.memory_space<vmem>>[vector<16xi32>], vector<16xf32>,
      %add3A_152 = arith.addf %scan3A_132, %gather3A_151 : vector<16xf32>
      %add3A_153 = arith.addi %mul3A_38, %broadcast_in_dim3A_137 : vector<16xi32>
      %gather3A_154 = tpu.vector_load_idx %arg7[%add3A_153] : memref<25600xi32, #tpu.memory_space<vmem>>[vector<16xi32>], vector<16xi32>,
      %gather3A_155 = tpu.vector_load_idx %arg6[%gather3A_154] : memref<102400xf32, #tpu.memory_space<vmem>>[vector<16xi32>], vector<16xf32>,
      %add3A_156 = arith.addf %scan3A_133, %gather3A_155 : vector<16xf32>
      %add3A_157 = arith.addi %mul3A_45, %broadcast_in_dim3A_137 : vector<16xi32>
      %gather3A_158 = tpu.vector_load_idx %arg7[%add3A_157] : memref<25600xi32, #tpu.memory_space<vmem>>[vector<16xi32>], vector<16xi32>,
      %gather3A_159 = tpu.vector_load_idx %arg6[%gather3A_158] : memref<102400xf32, #tpu.memory_space<vmem>>[vector<16xi32>], vector<16xf32>,
      %add3A_160 = arith.addf %scan3A_134, %gather3A_159 : vector<16xf32>
      %add3A_161 = arith.addi %mul3A_52, %broadcast_in_dim3A_137 : vector<16xi32>
      %gather3A_162 = tpu.vector_load_idx %arg7[%add3A_161] : memref<25600xi32, #tpu.memory_space<vmem>>[vector<16xi32>], vector<16xi32>,
      %gather3A_163 = tpu.vector_load_idx %arg6[%gather3A_162] : memref<102400xf32, #tpu.memory_space<vmem>>[vector<16xi32>], vector<16xf32>,
      %add3A_164 = arith.addf %scan3A_135, %gather3A_163 : vector<16xf32>
      %add3A_165 = arith.addi %mul3A_59, %broadcast_in_dim3A_137 : vector<16xi32>
      %gather3A_166 = tpu.vector_load_idx %arg7[%add3A_165] : memref<25600xi32, #tpu.memory_space<vmem>>[vector<16xi32>], vector<16xi32>,
      %gather3A_167 = tpu.vector_load_idx %arg6[%gather3A_166] : memref<102400xf32, #tpu.memory_space<vmem>>[vector<16xi32>], vector<16xf32>,
      %add3A_168 = arith.addf %scan3A_136, %gather3A_167 : vector<16xf32>
      scf.yield %add3A_140, %add3A_144, %add3A_148, %add3A_152, %add3A_156, %add3A_160, %add3A_164, %add3A_168 : vector<16xf32>, vector<16xf32>, vector<16xf32>, vector<16xf32>, vector<16xf32>, vector<16xf32>, vector<16xf32>, vector<16xf32>
    }
    %scan3A_65 = arith.constant 200 : i32
    %mul3A_66 = arith.constant 5.000000e-03 : f32
    %mul3A_67 = vector.broadcast %mul3A_66 : f32 to vector<16xf32>
    %mul3A_68 = arith.mulf %scan3A_64#0, %mul3A_67 : vector<16xf32>
    %get3A = arith.constant 0 : index
    %get3A_69 = tpu.vector_load %arg8[%get3A] {strides = array<i32>} : memref<128xf32, #tpu.memory_space<vmem>>, vector<16xf32>,
    %add3A_70 = arith.addf %mul3A_68, %get3A_69 : vector<16xf32>
    %swap3A = arith.constant 0 : index
    %swap3A_71 = tpu.vector_load %arg9[%swap3A] {strides = array<i32>} : memref<128xf32, #tpu.memory_space<vmem>>, vector<16xf32>,
    tpu.vector_store %arg9[%swap3A], %add3A_70 {strides = array<i32>} : memref<128xf32, #tpu.memory_space<vmem>>, vector<16xf32>,
    %mul3A_72 = arith.constant 5.000000e-03 : f32
    %mul3A_73 = vector.broadcast %mul3A_72 : f32 to vector<16xf32>
    %mul3A_74 = arith.mulf %scan3A_64#1, %mul3A_73 : vector<16xf32>
    %get3A_75 = arith.constant 16 : index
    %get3A_76 = tpu.vector_load %arg8[%get3A_75] {strides = array<i32>} : memref<128xf32, #tpu.memory_space<vmem>>, vector<16xf32>,
    %add3A_77 = arith.addf %mul3A_74, %get3A_76 : vector<16xf32>
    %swap3A_78 = arith.constant 16 : index
    %swap3A_79 = tpu.vector_load %arg9[%swap3A_78] {strides = array<i32>} : memref<128xf32, #tpu.memory_space<vmem>>, vector<16xf32>,
    tpu.vector_store %arg9[%swap3A_78], %add3A_77 {strides = array<i32>} : memref<128xf32, #tpu.memory_space<vmem>>, vector<16xf32>,
    %mul3A_80 = arith.constant 5.000000e-03 : f32
    %mul3A_81 = vector.broadcast %mul3A_80 : f32 to vector<16xf32>
    %mul3A_82 = arith.mulf %scan3A_64#2, %mul3A_81 : vector<16xf32>
    %get3A_83 = arith.constant 32 : index
    %get3A_84 = tpu.vector_load %arg8[%get3A_83] {strides = array<i32>} : memref<128xf32, #tpu.memory_space<vmem>>, vector<16xf32>,
    %add3A_85 = arith.addf %mul3A_82, %get3A_84 : vector<16xf32>
    %swap3A_86 = arith.constant 32 : index
    %swap3A_87 = tpu.vector_load %arg9[%swap3A_86] {strides = array<i32>} : memref<128xf32, #tpu.memory_space<vmem>>, vector<16xf32>,
    tpu.vector_store %arg9[%swap3A_86], %add3A_85 {strides = array<i32>} : memref<128xf32, #tpu.memory_space<vmem>>, vector<16xf32>,
    %mul3A_88 = arith.constant 5.000000e-03 : f32
    %mul3A_89 = vector.broadcast %mul3A_88 : f32 to vector<16xf32>
    %mul3A_90 = arith.mulf %scan3A_64#3, %mul3A_89 : vector<16xf32>
    %get3A_91 = arith.constant 48 : index
    %get3A_92 = tpu.vector_load %arg8[%get3A_91] {strides = array<i32>} : memref<128xf32, #tpu.memory_space<vmem>>, vector<16xf32>,
    %add3A_93 = arith.addf %mul3A_90, %get3A_92 : vector<16xf32>
    %swap3A_94 = arith.constant 48 : index
    %swap3A_95 = tpu.vector_load %arg9[%swap3A_94] {strides = array<i32>} : memref<128xf32, #tpu.memory_space<vmem>>, vector<16xf32>,
    tpu.vector_store %arg9[%swap3A_94], %add3A_93 {strides = array<i32>} : memref<128xf32, #tpu.memory_space<vmem>>, vector<16xf32>,
    %mul3A_96 = arith.constant 5.000000e-03 : f32
    %mul3A_97 = vector.broadcast %mul3A_96 : f32 to vector<16xf32>
    %mul3A_98 = arith.mulf %scan3A_64#4, %mul3A_97 : vector<16xf32>
    %get3A_99 = arith.constant 64 : index
    %get3A_100 = tpu.vector_load %arg8[%get3A_99] {strides = array<i32>} : memref<128xf32, #tpu.memory_space<vmem>>, vector<16xf32>,
    %add3A_101 = arith.addf %mul3A_98, %get3A_100 : vector<16xf32>
    %swap3A_102 = arith.constant 64 : index
    %swap3A_103 = tpu.vector_load %arg9[%swap3A_102] {strides = array<i32>} : memref<128xf32, #tpu.memory_space<vmem>>, vector<16xf32>,
    tpu.vector_store %arg9[%swap3A_102], %add3A_101 {strides = array<i32>} : memref<128xf32, #tpu.memory_space<vmem>>, vector<16xf32>,
    %mul3A_104 = arith.constant 5.000000e-03 : f32
    %mul3A_105 = vector.broadcast %mul3A_104 : f32 to vector<16xf32>
    %mul3A_106 = arith.mulf %scan3A_64#5, %mul3A_105 : vector<16xf32>
    %get3A_107 = arith.constant 80 : index
    %get3A_108 = tpu.vector_load %arg8[%get3A_107] {strides = array<i32>} : memref<128xf32, #tpu.memory_space<vmem>>, vector<16xf32>,
    %add3A_109 = arith.addf %mul3A_106, %get3A_108 : vector<16xf32>
    %swap3A_110 = arith.constant 80 : index
    %swap3A_111 = tpu.vector_load %arg9[%swap3A_110] {strides = array<i32>} : memref<128xf32, #tpu.memory_space<vmem>>, vector<16xf32>,
    tpu.vector_store %arg9[%swap3A_110], %add3A_109 {strides = array<i32>} : memref<128xf32, #tpu.memory_space<vmem>>, vector<16xf32>,
    %mul3A_112 = arith.constant 5.000000e-03 : f32
    %mul3A_113 = vector.broadcast %mul3A_112 : f32 to vector<16xf32>
    %mul3A_114 = arith.mulf %scan3A_64#6, %mul3A_113 : vector<16xf32>
    %get3A_115 = arith.constant 96 : index
    %get3A_116 = tpu.vector_load %arg8[%get3A_115] {strides = array<i32>} : memref<128xf32, #tpu.memory_space<vmem>>, vector<16xf32>,
    %add3A_117 = arith.addf %mul3A_114, %get3A_116 : vector<16xf32>
    %swap3A_118 = arith.constant 96 : index
    %swap3A_119 = tpu.vector_load %arg9[%swap3A_118] {strides = array<i32>} : memref<128xf32, #tpu.memory_space<vmem>>, vector<16xf32>,
    tpu.vector_store %arg9[%swap3A_118], %add3A_117 {strides = array<i32>} : memref<128xf32, #tpu.memory_space<vmem>>, vector<16xf32>,
    %mul3A_120 = arith.constant 5.000000e-03 : f32
    %mul3A_121 = vector.broadcast %mul3A_120 : f32 to vector<16xf32>
    %mul3A_122 = arith.mulf %scan3A_64#7, %mul3A_121 : vector<16xf32>
    %get3A_123 = arith.constant 112 : index
    %get3A_124 = tpu.vector_load %arg8[%get3A_123] {strides = array<i32>} : memref<128xf32, #tpu.memory_space<vmem>>, vector<16xf32>,
    %add3A_125 = arith.addf %mul3A_122, %get3A_124 : vector<16xf32>
    %swap3A_126 = arith.constant 112 : index
    %swap3A_127 = tpu.vector_load %arg9[%swap3A_126] {strides = array<i32>} : memref<128xf32, #tpu.memory_space<vmem>>, vector<16xf32>,
    tpu.vector_store %arg9[%swap3A_126], %add3A_125 {strides = array<i32>} : memref<128xf32, #tpu.memory_space<vmem>>, vector<16xf32>,
    "tpu.region"() ({
      %run_scoped3A = tpu.sem_alloc : memref<!tpu.dma_semaphore, #tpu.memory_space<semaphore_mem>>
      %dma_start3A = tpu.memref_slice %arg5[%mul3A_2] : memref<4096xf32, #tpu.memory_space<hbm>> -> memref<128xf32, #tpu.memory_space<hbm>>
      %dma_start3A_128 = tpu.memref_slice %arg5[%mul3A_2] : memref<4096xf32, #tpu.memory_space<hbm>> -> memref<128xf32, #tpu.memory_space<hbm>>
      tpu.enqueue_dma source(%arg9 : memref<128xf32, #tpu.memory_space<vmem>>) target(%dma_start3A_128 : memref<128xf32, #tpu.memory_space<hbm>>) target_semaphore(%run_scoped3A : memref<!tpu.dma_semaphore, #tpu.memory_space<semaphore_mem>>)
      %dma_wait3A = tpu.memref_slice %arg5[%mul3A_2] : memref<4096xf32, #tpu.memory_space<hbm>> -> memref<128xf32, #tpu.memory_space<hbm>>
      %dma_wait3A_129 = tpu.memref_slice %arg5[%mul3A_2] : memref<4096xf32, #tpu.memory_space<hbm>> -> memref<128xf32, #tpu.memory_space<hbm>>
      tpu.wait_dma2 semaphore(%run_scoped3A : memref<!tpu.dma_semaphore, #tpu.memory_space<semaphore_mem>>) src(%arg9 : memref<128xf32, #tpu.memory_space<vmem>>) dst(%dma_wait3A_129 : memref<128xf32, #tpu.memory_space<hbm>>)
      tpu.yield
    }) : () -> ()
    return
  }
}

module attributes {stable_mosaic.version = 14 : i64} {
  func.func @_tv_body(%arg0: i32, %arg1: memref<4096x300xf32, #tpu.memory_space<vmem>>, %arg2: memref<1x300xf32, #tpu.memory_space<vmem>>, %arg3: memref<4096xf32, #tpu.memory_space<vmem>>) attributes {dimension_semantics = [#tpu.dimension_semantics<arbitrary>], iteration_bounds = array<i64: 25>, scalar_prefetch = 0 : i64, scratch_operands = 0 : i64, tpu.core_type = #tpu.core_type<tc>, window_params = [{transform_indices = @transform_0, window_bounds = array<i64: 4096, 300>}, {pipeline_mode = #tpu.pipeline_mode<synchronous>, transform_indices = @transform_1, window_bounds = array<i64: 1, 300>}, {transform_indices = @transform_2, window_bounds = array<i64: 4096>}]} {
    %get3A = arith.constant 0 : index
    %get3A_0 = arith.constant 0 : index
    %get3A_1 = vector.load %arg1[%get3A, %get3A_0] : memref<4096x300xf32, #tpu.memory_space<vmem>>, vector<4096x300xf32>
    %get3A_2 = arith.constant 0 : index
    %get3A_3 = arith.constant 0 : index
    %get3A_4 = vector.load %arg2[%get3A_2, %get3A_3] : memref<1x300xf32, #tpu.memory_space<vmem>>, vector<1x300xf32>
    %get3A_5 = vector.shape_cast %get3A_4 : vector<1x300xf32> to vector<300xf32>
    %broadcast_in_dim3A = vector.shape_cast %get3A_5 : vector<300xf32> to vector<1x300xf32>
    %mul3A = vector.broadcast %broadcast_in_dim3A : vector<1x300xf32> to vector<4096x300xf32>
    %mul3A_6 = arith.mulf %get3A_1, %mul3A : vector<4096x300xf32>
    %reduce_sum3A = arith.constant dense<0.000000e+00> : vector<4096xf32>
    %reduce_sum3A_7 = vector.multi_reduction <add>, %mul3A_6, %reduce_sum3A [1] : vector<4096x300xf32> to vector<4096xf32>
    %swap3A = arith.constant 0 : index
    %swap3A_8 = vector.load %arg3[%swap3A] : memref<4096xf32, #tpu.memory_space<vmem>>, vector<4096xf32>
    tpu.vector_store %arg3[%swap3A], %reduce_sum3A_7 {strides = array<i32>} : memref<4096xf32, #tpu.memory_space<vmem>>, vector<4096xf32>,
    return
  }
  func.func @transform_0(%arg0: i32) -> (i32, i32) {
    %c0_i32 = arith.constant 0 : i32
    %c0_i32_0 = arith.constant 0 : i32
    return %arg0, %c0_i32 : i32, i32
  }
  func.func @transform_1(%arg0: i32) -> (i32, i32) {
    %c0_i32 = arith.constant 0 : i32
    %c0_i32_0 = arith.constant 0 : i32
    %c0_i32_1 = arith.constant 0 : i32
    return %c0_i32, %c0_i32_0 : i32, i32
  }
  func.func @transform_2(%arg0: i32) -> i32 {
    %c0_i32 = arith.constant 0 : i32
    return %arg0 : i32
  }
}

module attributes {stable_mosaic.version = 14 : i64} {
  func.func @_pd_body(%arg0: memref<4096x219xf32, #tpu.memory_space<vmem>>, %arg1: memref<1x219xf32, #tpu.memory_space<vmem>>, %arg2: memref<1x1xf32, #tpu.memory_space<vmem>>, %arg3: memref<1x4096xf32, #tpu.memory_space<vmem>>) attributes {dimension_semantics = [], scalar_prefetch = 0 : i64, scratch_operands = 0 : i64, tpu.core_type = #tpu.core_type<tc>} {
    %get3A = arith.constant 0 : index
    %get3A_0 = arith.constant 0 : index
    %get3A_1 = vector.load %arg0[%get3A, %get3A_0] : memref<4096x219xf32, #tpu.memory_space<vmem>>, vector<4096x219xf32>
    %get3A_2 = arith.constant 0 : index
    %get3A_3 = arith.constant 0 : index
    %get3A_4 = vector.load %arg1[%get3A_2, %get3A_3] : memref<1x219xf32, #tpu.memory_space<vmem>>, vector<1x219xf32>
    %get3A_5 = vector.shape_cast %get3A_4 : vector<1x219xf32> to vector<219xf32>
    %broadcast_in_dim3A = vector.shape_cast %get3A_5 : vector<219xf32> to vector<1x219xf32>
    %mul3A = vector.broadcast %broadcast_in_dim3A : vector<1x219xf32> to vector<4096x219xf32>
    %mul3A_6 = arith.mulf %get3A_1, %mul3A : vector<4096x219xf32>
    %reduce_sum3A = arith.constant dense<0.000000e+00> : vector<4096xf32>
    %reduce_sum3A_7 = vector.multi_reduction <add>, %mul3A_6, %reduce_sum3A [1] : vector<4096x219xf32> to vector<4096xf32>
    %get3A_8 = arith.constant 0 : index
    %get3A_9 = arith.constant 0 : index
    %get3A_10 = vector.load %arg2[%get3A_8, %get3A_9] : memref<1x1xf32, #tpu.memory_space<vmem>>, vector<1x1xf32>
    %get3A_11 = vector.extract %get3A_10[0, 0] : f32 from vector<1x1xf32>
    %add3A = vector.broadcast %get3A_11 : f32 to vector<4096xf32>
    %add3A_12 = arith.addf %reduce_sum3A_7, %add3A : vector<4096xf32>
    %swap3A = arith.constant 0 : index
    %swap3A_13 = arith.constant 0 : index
    %swap3A_14 = vector.load %arg3[%swap3A, %swap3A_13] : memref<1x4096xf32, #tpu.memory_space<vmem>>, vector<1x4096xf32>
    %swap3A_15 = vector.shape_cast %swap3A_14 : vector<1x4096xf32> to vector<4096xf32>
    %swap3A_16 = vector.shape_cast %add3A_12 : vector<4096xf32> to vector<1x4096xf32>
    tpu.vector_store %arg3[%swap3A, %swap3A_13], %swap3A_16 {strides = array<i32>} : memref<1x4096xf32, #tpu.memory_space<vmem>>, vector<1x4096xf32>,
    return
  }
}

</mosaic_0001>

<sc_bundles>
// kernel: kernel.5.cloned.1.call-start
scs
__scs_entry_jumppad:
0x0: {  	(pc) =	sbr.rel $0x88, $3  }
0x1: {  	(tag) =	ssettag $0x0;
	lr =	simm.s32 $0x1  }
0x2: {  	[smem:$0x3F9C] =	sst lr;
	_ =	strace $0xD0000000  }
0x3: {  	_ = 	snop  }
0x4: {  	_ = 	snop  }
0x5: {  	_ = 	snop  }
0x6: {  	_ = 	snop  }
0x7: {  	_ = 	snop  }
__scs_overlays_trampoline_lowered:
0x8: {  	[smem:$0x3FAB] =	sst s0  }
0x9: {  	[smem:$0x3FAC] =	sst s1  }
0xa: {  	[smem:$0x3FAD] =	sst s2  }
0xb: {  	[smem:$0x3FAE] =	sst s3  }
0xc: {  	[smem:$0x3FAF] =	sst s4  }
0xd: {  	[smem:$0x3FB0] =	sst s5  }
0xe: {  	[smem:$0x3FB1] =	sst s6  }
0xf: {  	[smem:$0x3FB2] =	sst s7  }
0x10: {  	[smem:$0x3FB3] =	sst s8  }
0x11: {  	[smem:$0x3FB4] =	sst s9;
	s0 =	simm.s32 @!p0 $0x0  }
0x12: {  	s1 =	sld [smem:$0x3F9A];
	s0 =	simm.s32 @p0 $0x1  }
0x13: {  	[smem:$0x3FB5] =	sst s0;
	s0 =	simm.s32 @!p1 $0x0  }
0x14: {  	s2 =	sld [smem:$0x3F99];
	s0 =	simm.s32 @p1 $0x1  }
0x15: {  	[smem:$0x3FB6] =	sst s0;
	s0 =	simm.s32 @!p2 $0x0  }
0x16: {  	s3 =	sld [smem:$0x3FDB];
	s0 =	simm.s32 @p2 $0x1  }
0x17: {  	s4 =	simm.s32 $0x1BF5;
	[smem:$0x3FB8] =	sst s0  }
0x18: {  	s0 =	sld [smem:$0x3F9B];
	_ =	swait.ge [sflag:s4], $0x0  }
0x19: {  	s7 =	sld [smem:$0x3F9C]  }
0x1a: {  	s8 =	sadd.s32 $0xFFFFE003, lr  }
0x1b: {  	s9 =	sadd.s32 $0xFFFFFEF7, lr;
	s5 =	simm.s32 $0xFFFFFFFF;
	p2 =	slt.u32 s8, $0xFFFFF086  }
0x1c: {  	p1 =	slt.u32 s9, $0xF7A;
	s5 =	simm.s32 @!p2 $0x0  }
0x1d: {  	s5 =	simm.s32 @p1 $0x1;
	p0 =	seq.s32 s7, s2  }
0x1e: {  	s7 =	smul.u32 @!p0 $0xF7A, s2;
	p2 =	seq.s32 @!p0 s5, $0x0  }
0x1f: {  	s9 =	smul.u32 $0xF7A, s1;
	s8 =	simm.s32 @!p0 $0x1BF5;
	p2 =	por !p2, p0  }
0x20: {  	[sflag:s8] =	ssyncset.s32 @!p0 $0xFFFFF086;
	s6 =	sadd.s32 @!p0 s3, s7;
	s7 =	simm.s32 @!p0 $0x108  }
0x21: {  	s3 =	sadd.s32 s3, s9;
	s6 =	sadd.s32 @!p0 $0x88, s6;
	s7 =	simm.s32 @p2 $0x1082  }
0x22: {  	[simem:s7], [sflag:s8] =	dma.local @!p0 [hbm:s6], $0xF7A  }
0x23: {  	s9 =	sor.u32 $0xD0000000, s2;
	s6 =	simm.s32 $0x108;
	_ =	swait.ge @!p0 [sflag:s8], $0x0  }
0x24: {  	s3 =	sadd.s32 $0x88, s3;
	s6 =	simm.s32 @!p1 $0x1082;
	[sflag:s4] =	ssyncset.s32 $0xFFFFF086  }
0x25: {  	[simem:s6], [sflag:s4] =	dma.local [hbm:s3], $0xF7A  }
0x26: {  	[smem:$0x3F9C] =	sst s1;
	(tag) =	ssettag s2;
	_ =	strace s9  }
0x27: {  	s1 =	sld [smem:$0x3FAC]  }
0x28: {  	s2 =	sld [smem:$0x3FAD]  }
0x29: {  	s4 =	sld [smem:$0x3FAF]  }
0x2a: {  	p0 =	seq.s32 s5, $0x0;
	s5 =	sld [smem:$0x3FB0]  }
0x2b: {  	s6 =	sld [smem:$0x3FB1]  }
0x2c: {  	s7 =	sld [smem:$0x3FB2]  }
0x2d: {  	s3 =	simm.s32 $0x108;
	s8 =	sld [smem:$0x3FB3]  }
0x2e: {  	s3 =	simm.s32 @!p0 $0x1082;
	s9 =	sld [smem:$0x3FB4]  }
0x2f: {  	lr =	sadd.s32 s0, s3;
	s0 =	sld [smem:$0x3FAB]  }
0x30: {  	s3 =	sld [smem:$0x3FAE]  }
0x31: {  	[smem:$0x3FB7] =	sst s10  }
0x32: {  	s10 =	sld [smem:$0x3FB5];
	_ =	sdelay $0x3  }
0x33: {  	p0 =	seq.s32 s10, $0x1;
	s10 =	sld [smem:$0x3FB7];
	_ =	sdelay $0x3  }
0x34: {  	[smem:$0x3FB7] =	sst s10  }
0x35: {  	s10 =	sld [smem:$0x3FB6];
	_ =	sdelay $0x3  }
0x36: {  	p1 =	seq.s32 s10, $0x1;
	s10 =	sld [smem:$0x3FB7];
	_ =	sdelay $0x3  }
0x37: {  	[smem:$0x3FB7] =	sst s10  }
0x38: {  	s10 =	sld [smem:$0x3FB8]  }
0x39: {  	_ = 	snop;
	(pc) =	sbr.ind lr, $3  }
0x3a: {  	_ = 	snop  }
0x3b: {  	_ = 	snop  }
0x3c: {  	p2 =	seq.s32 s10, $0x1;
	s10 =	sld [smem:$0x3FB7]  }
0x3d: {  	_ =	shalt  }
0x3e: {  	_ =	shalt  }
0x3f: {  	_ =	shalt  }
0x40: {  	_ =	shalt  }
0x41: {  	_ =	shalt  }
0x42: {  	_ =	shalt  }
0x43: {  	_ =	shalt  }
0x44: {  	_ =	shalt  }
0x45: {  	_ =	shalt  }
0x46: {  	_ =	shalt  }
0x47: {  	_ =	shalt  }
0x48: {  	_ =	shalt  }
0x49: {  	_ =	shalt  }
0x4a: {  	_ =	shalt  }
0x4b: {  	_ =	shalt  }
0x4c: {  	_ =	shalt  }
0x4d: {  	_ =	shalt  }
0x4e: {  	_ =	shalt  }
0x4f: {  	_ =	shalt  }
0x50: {  	_ =	shalt  }
0x51: {  	_ =	shalt  }
0x52: {  	_ =	shalt  }
0x53: {  	_ =	shalt  }
0x54: {  	_ =	shalt  }
0x55: {  	_ =	shalt  }
0x56: {  	_ =	shalt  }
0x57: {  	_ =	shalt  }
0x58: {  	_ =	shalt  }
0x59: {  	_ =	shalt  }
0x5a: {  	_ =	shalt  }
0x5b: {  	_ =	shalt  }
0x5c: {  	_ =	shalt  }
0x5d: {  	_ =	shalt  }
0x5e: {  	_ =	shalt  }
0x5f: {  	_ =	shalt  }
0x60: {  	_ =	shalt  }
0x61: {  	_ =	shalt  }
0x62: {  	_ =	shalt  }
0x63: {  	_ =	shalt  }
0x64: {  	_ =	shalt  }
0x65: {  	_ =	shalt  }
0x66: {  	_ =	shalt  }
0x67: {  	_ =	shalt  }
0x68: {  	_ =	shalt  }
0x69: {  	_ =	shalt  }
0x6a: {  	_ =	shalt  }
0x6b: {  	_ =	shalt  }
0x6c: {  	_ =	shalt  }
0x6d: {  	_ =	shalt  }
0x6e: {  	_ =	shalt  }
0x6f: {  	_ =	shalt  }
0x70: {  	_ =	shalt  }
0x71: {  	_ =	shalt  }
0x72: {  	_ =	shalt  }
0x73: {  	_ =	shalt  }
0x74: {  	_ =	shalt  }
0x75: {  	_ =	shalt  }
0x76: {  	_ =	shalt  }
0x77: {  	_ =	shalt  }
0x78: {  	_ =	shalt  }
0x79: {  	_ =	shalt  }
0x7a: {  	_ =	shalt  }
0x7b: {  	_ =	shalt  }
0x7c: {  	_ =	shalt  }
0x7d: {  	_ =	shalt  }
0x7e: {  	_ =	shalt  }
0x7f: {  	_ =	shalt  }
0x80: {  	_ =	shalt  }
0x81: {  	_ =	shalt  }
0x82: {  	_ =	shalt  }
0x83: {  	_ =	shalt  }
0x84: {  	_ =	shalt  }
0x85: {  	_ =	shalt  }
0x86: {  	_ =	shalt  }
0x87: {  	_ =	shalt  }
.Lfunc_end0:
.L_simem_size_0:
called_computation_lowered:
.L_overlay_start_0:
0x88: {  	s2 =	sld [smem:$0x3FD9]  }
0x89: {  	s3 =	sld [smem:$0x3FFE];
	_ =	sdelay $0x1  }
0x8a: {  	s1 =	srdreg.scid  }
0x8b: {  	s0 =	sand.u32 $0x1, s1  }
0x8c: {  	s17 =	sshll.u32 s0, $0xA;
	s2 =	sadd.s32 s3, s2  }
0x8d: {  	s2 =	sadd.s32 s2, s17  }
0x8e: {  	[smem:$0x3FC3] =	sst s2  }
0x8f: {  	_ = 	snop  }
0x90: {  	s2 =	sld [smem:$0x3FD0];
	(tm) =	ssettm $0x1  }
0x91: {  	s18 =	sld [smem:$0x3FFB];
	_ =	sdelay $0x3  }
0x92: {  	_ =	strace s18  }
0x93: {  	s3 =	sld [smem:$0x3FFC];
	_ =	sdelay $0x3  }
0x94: {  	_ =	strace s3  }
0x95: {  	s3 =	sld [smem:$0x3FFD];
	_ =	sdelay $0x3  }
0x96: {  	_ =	strace s3  }
0x97: {  	_ =	strace $0x8FFFFFFF  }
0x98: {  	s19 =	sld [smem:$0x3FDB];
	_ =	sdelay $0x1  }
0x99: {  	s4 =	simm.s32 $_scs_section_size  }
0x9a: {  	s5 =	simm.s32 $_size__tile_overlayer_lowered;
	s6 =	simm.s32 $_tile_overlayer_lowered  }
0x9b: {  	s22 =	simm.s32 $0x1BFF;
	s21 =	sshll.u32 s6, $0x1;
	s3 =	sadd.s32 s4, s19  }
0x9c: {  	s7 =	simm.s32 $0x0;
	s20 =	sshll.u32 s5, $0x1;
	s5 =	sadd.s32 s21, s3  }
0x9d: {  	[timem:s7], [sflag:s22] =	dma.local [hbm:s5], s20  }
0x9e: {  	_ =	swait.ge [sflag:s22], s20  }
0x9f: {  	s4 =	ssub.s32 $0x0, s20;
	[sflag:s22] =	ssyncset.done $0x0  }
0xa0: {  	[sflag:s22] =	ssyncadd.s32 s4;
	_ =	sdelay $0x1  }
0xa1: {  	s23 =	simm.s32 $0x1B8B  }
0xa2: {  	_ =	swait.ge [sflag:s23], $0x1  }
0xa3: {  	[sflag:s23] =	ssyncset.done $0x0  }
0xa4: {  	s25 =	simm.s32 $0x1B8E;
	s24 =	sld [smem:$0x3FFE];
	[sflag:s23] =	ssyncadd.s32 $0xFFFFFFFF  }
0xa5: {  	s26 =	simm.s32 $execute0_lowered;
	[smem:$0x3FD2] =	sst s25  }
0xa6: {  	s5 =	sshll.u32 s26, $0x1;
	_ =	strace $0x80000046;
	[dreg:$0x1] =	wrdreg $0xFFFFFFFF  }
0xa7: {  	s28 =	simm.s32 $_size_execute0_lowered;
	s3 =	sadd.s32 s3, s5;
	[dreg:$0x0] =	wrdreg $0x0  }
0xa8: {  	s5 =	sshll.u32 s28, $0x1;
	[dreg:$0x2] =	wrdreg s3  }
0xa9: {  	[dreg:$0x3] =	wrdreg s5  }
0xaa: {  	[dreg:$0x4] =	wrdreg $0xC0  }
0xab: {  	_ =	task [dreg:s7], $0x5FFFF  }
0xac: {  	[dreg:$0x1] =	wrdreg $0xFFFFFFFF  }
0xad: {  	[dreg:$0x0] =	wrdreg $0x60  }
0xae: {  	[dreg:$0x2] =	wrdreg s24  }
0xaf: {  	[dreg:$0x3] =	wrdreg s2  }
0xb0: {  	[dreg:$0x4] =	wrdreg $0x9  }
0xb1: {  	_ =	task.clear_ibuf [dreg:s7], $0x5FFFF;
	_ =	strace $0x90000046  }
0xb2: {  	s29 =	simm.s32 $0x9;
	_ =	strace $0x80000048  }
0xb3: {  	_ =	swait.ge [sflag:s29], $0x1  }
0xb4: {  	[sflag:s29] =	ssyncadd.s32 $0xFFFFFFFF  }
0xb5: {  	_ =	strace $0x90000048  }
0xb6: {  	_ =	sfence  }
0xb7: {  	s30 =	sld [smem:$0x0];
	_ =	sdelay $0x2  }
0xb8: {  	s31 =	sshll.u32 s1, $0xD;
	s1 =	sshrl.u32 s1, $0x2  }
0xb9: {  	s3 =	sand.u32 $0x4000, s31;
	s1 =	sadd.s32 s1, s30  }
0xba: {  	s0 =	sor.u32 s3, s0;
	s1 =	sshll.u32 s1, $0x11  }
0xbb: {  	s0 =	sor.u32 s1, s0  }
0xbc: {  	s0 =	sadd.s32 $0x8F2B, s0  }
0xbd: {  	[sflag:s0] =	ssyncadd.remote.s32 $0x1  }
0xbe: {  	_ =	sfence.sel $0xFFFF  }
0xbf: {  	[dreg:$0x0] =	wrdreg $0xFFFFFFFF;
	(pc) =	sbr.abs _section_cstart, $3  }
0xc0: {  	[dreg:$0x1] =	wrdreg $0xFFFFFFFF  }
0xc1: {  	_ =	task.clear_ibuf [dreg:s7], $0x2FFFF;
	_ =	strace $0x9FFFFFFF  }
0xc2: {  	(tm) =	ssettm $0x7FFFFFFF  }
0xc3: {  	_ =	shalt  }
tec
execute0_lowered:
.L_overlay_start_1:
0x0: {  	(tag) =	ssettag $0x1  }
0x1: {  	s4 =	rddreg [dreg:$0x0];
	s1 =	srdreg.scid  }
0x2: {  	s0 =	stileid.u32;
	s6 =	rddreg [dreg:$0x1]  }
0x3: {  	s2 =	simm.s32 $0x0;
	s11 =	simm.s32 $0x1F480;
	s12 =	simm.s32 $0x0  }
0x4: {  	s3 =	sand.u32 $0x1, s1;
	s5 =	sshll.u32 s0, $0x1;
	[smem:$0x7FF] =	sst s2  }
0x5: {  	v0 =	vlaneseq.u32;
	s1 =	rddreg [dreg:$0x2];
	s5 =	sor.u32 s3, s5;
	_ =	strace $0x80000047  }
0x6: {  	v0 =	vmul.u32 $0xC8, v0;
	s8 =	ssub.s32 $0x2, s3;
	s3 =	sadd.s32 $0xC00, s4;
	s9 =	sshll.u32 s5, $0x4  }
0x7: {  	s7 =	smul.u32 $0xC80, s5;
	s31 =	sshrl.u32 s8, $0x1;
	s10 =	sadd.s32 s9, s4  }
0x8: {  	v1 =	vadd.s32 $0xC80, v0;
	s8 =	ssub.s32 s8, s31;
	s6 =	sadd.s32 s6, s9;
	s9 =	simm.s32 $0x19000  }
0x9: {  	v2 =	vadd.s32 $0x1900, v0;
	v3 =	vadd.s32 $0x2580, v0;
	v4 =	vadd.s32 $0x3200, v0;
	s7 =	sadd.s32 s7, s4;
	s5 =	sadd.s32 $0x3E00, s10;
	s10 =	simm.s32 $0x1F400  }
0xa: {  	v5 =	vadd.s32 $0x3E80, v0;
	v6 =	vadd.s32 $0x4B00, v0;
	v7 =	vadd.s32 $0x5780, v0;
	s4 =	sadd.s32 $0x494C00, s7;
	s7 =	smax.u32 s8, $0x1;
	s8 =	simm.s32 $0x1  }
.LBB2_1:
0xb: {  	[tilespmem:s2], [sflag:$0x1] =	stream.linear.gather [hbm4b:s3+s2], $0x19000, $0x38;
	[tilespmem:$0x1F500] =	vst v63  }
0xc: {  	_ =	swait.ge [sflag:s8], $0x19000  }
0xd: {  	[sflag:s8] =	ssyncset.done $0x0  }
0xe: {  	[sflag:s8] =	ssyncadd.s32 $0xFFFE7000  }
0xf: {  	[tilespmem:s9], [sflag:$0x1] =	stream.linear.gather [hbm4b:s4+s2], $0x6400, $0x38;
	[tilespmem:$0x1F500] =	vst v63  }
0x10: {  	_ =	swait.ge [sflag:s8], $0x6400  }
0x11: {  	[sflag:s8] =	ssyncset.done $0x0  }
0x12: {  	v8 =	vadd.s32 s2, v7;
	[sflag:s8] =	ssyncadd.s32 $0xFFFF9C00  }
0x13: {  	v9 =	vadd.s32 s2, v6;
	[tilespmem:s10], [sflag:$0x1] =	stream.linear.gather [hbm4b:s5+s2], $0x80, $0x38;
	[tilespmem:$0x1F500] =	vst v63  }
0x14: {  	v10 =	vadd.s32 s2, v5;
	_ =	swait.ge [sflag:s8], $0x80  }
0x15: {  	v11 =	vadd.s32 s2, v4;
	[sflag:s8] =	ssyncset.done $0x0  }
0x16: {  	v12 =	vadd.s32 s2, v3;
	[sflag:s8] =	ssyncadd.s32 $0xFFFFFF80  }
0x17: {  	v13 =	vadd.s32 s2, v2;
	v8 =	vld.idx.msk [tilespmem:v8+s9+$0x0], $0xffff  }
0x18: {  	v14 =	vadd.s32 s2, v1;
	v9 =	vld.idx.msk [tilespmem:v9+s9+$0x0], $0xffff  }
0x19: {  	v15 =	vadd.s32 s2, v0;
	s13 =	simm.s32 $0x1;
	v10 =	vld.idx.msk [tilespmem:v10+s9+$0x0], $0xffff  }
0x1a: {  	v18 =	vadd.s32 s13, v7;
	v16 =	vld.idx.msk [tilespmem:v11+s9+$0x0], $0xffff  }
0x1b: {  	v12 =	vld.idx.msk [tilespmem:v12+s9+$0x0], $0xffff  }
0x1c: {  	v17 =	vld.idx.msk [tilespmem:v13+s9+$0x0], $0xffff  }
0x1d: {  	v14 =	vld.idx.msk [tilespmem:v14+s9+$0x0], $0xffff  }
0x1e: {  	v15 =	vld.idx.msk [tilespmem:v15+s9+$0x0], $0xffff  }
0x1f: {  	v22 =	vld.idx.msk [tilespmem:v18+s9+$0x0], $0xffff  }
0x20: {  	v8 =	vld.idx.msk [tilespmem:v8+s2+$0x0], $0xffff  }
0x21: {  	v9 =	vld.idx.msk [tilespmem:v9+s2+$0x0], $0xffff  }
0x22: {  	v11 =	vld.idx.msk [tilespmem:v10+s2+$0x0], $0xffff  }
0x23: {  	v23 =	vadd.s32 s13, v6;
	v13 =	vld.idx.msk [tilespmem:v16+s2+$0x0], $0xffff  }
0x24: {  	v26 =	vadd.s32 s13, v5;
	v16 =	vld.idx.msk [tilespmem:v12+s2+$0x0], $0xffff  }
0x25: {  	v27 =	vadd.s32 s13, v4;
	v19 =	vld.idx.msk [tilespmem:v17+s2+$0x0], $0xffff  }
0x26: {  	v24 =	vadd.s32 s13, v3;
	v25 =	vadd.s32 s13, v2;
	v28 =	vadd.s32 s13, v1;
	v20 =	vld.idx.msk [tilespmem:v14+s2+$0x0], $0xffff  }
0x27: {  	v29 =	vadd.s32 s13, v0;
	v18 =	vimm.f32 $0.0e+00;
	v10 =	vimm.f32 $0.0e+00;
	v21 =	vld.idx.msk [tilespmem:v15+s2+$0x0], $0xffff  }
0x28: {  	v23 =	vld.idx.msk [tilespmem:v23+s9+$0x0], $0xffff;
	v12 =	vimm.f32 $0.0e+00;
	v14 =	vimm.f32 $0.0e+00;
	v15 =	vimm.f32 $0.0e+00  }
0x29: {  	s13 =	simm.s32 $0x2;
	v26 =	vld.idx.msk [tilespmem:v26+s9+$0x0], $0xffff;
	v17 =	vimm.f32 $0.0e+00;
	v9 =	vadd.f32 v9, v10;
	v8 =	vadd.f32 v8, v10  }
.LBB2_2:
0x2a: {  	p0 =	sne.s32 s13, $0xC7;
	v27 =	vld.idx.msk [tilespmem:v27+s9+$0x0], $0xffff;
	v10 =	vadd.f32 v13, v10;
	v12 =	vadd.f32 v11, v12  }
0x2b: {  	v14 =	vadd.f32 v19, v14;
	v15 =	vadd.f32 v16, v15;
	v24 =	vld.idx.msk [tilespmem:v24+s9+$0x0], $0xffff  }
0x2c: {  	v17 =	vadd.f32 v20, v17;
	v18 =	vadd.f32 v21, v18;
	v19 =	vld.idx.msk [tilespmem:v25+s9+$0x0], $0xffff  }
0x2d: {  	v20 =	vld.idx.msk [tilespmem:v28+s9+$0x0], $0xffff  }
0x2e: {  	v21 =	vld.idx.msk [tilespmem:v29+s9+$0x0], $0xffff  }
0x2f: {  	v30 =	vld.idx.msk [tilespmem:v22+s2+$0x0], $0xffff  }
0x30: {  	v31 =	vld.idx.msk [tilespmem:v23+s2+$0x0], $0xffff  }
0x31: {  	v11 =	vld.idx.msk [tilespmem:v26+s2+$0x0], $0xffff  }
0x32: {  	v22 =	vadd.s32 s13, v7;
	v13 =	vld.idx.msk [tilespmem:v27+s2+$0x0], $0xffff  }
0x33: {  	v23 =	vadd.s32 s13, v6;
	v16 =	vld.idx.msk [tilespmem:v24+s2+$0x0], $0xffff  }
0x34: {  	v26 =	vadd.s32 s13, v5;
	v19 =	vld.idx.msk [tilespmem:v19+s2+$0x0], $0xffff  }
.Ltmp0:
0x35: {  	v27 =	vadd.s32 s13, v4;
	v20 =	vld.idx.msk [tilespmem:v20+s2+$0x0], $0xffff;
	(pc) =	sbr.rel @p0 .LBB2_2-.Ltmp0, $4  }
0x36: {  	v24 =	vadd.s32 s13, v3;
	v21 =	vld.idx.msk [tilespmem:v21+s2+$0x0], $0xffff  }
0x37: {  	v25 =	vadd.s32 s13, v2;
	v22 =	vld.idx.msk [tilespmem:v22+s9+$0x0], $0xffff  }
0x38: {  	v28 =	vadd.s32 s13, v1;
	v23 =	vld.idx.msk [tilespmem:v23+s9+$0x0], $0xffff  }
0x39: {  	v29 =	vadd.s32 s13, v0;
	s13 =	sadd.s32 $0x1, s13;
	v8 =	vadd.f32 v30, v8;
	v9 =	vadd.f32 v31, v9;
	v26 =	vld.idx.msk [tilespmem:v26+s9+$0x0], $0xffff  }
0x3a: {  	_ =	sdelay $0x3  }
0x3b: {  	v27 =	vld.idx.msk [tilespmem:v27+s9+$0x0], $0xffff  }
0x3c: {  	v29 =	vld.idx.msk [tilespmem:v29+s9+$0x0], $0xffff  }
0x3d: {  	v28 =	vld.idx.msk [tilespmem:v28+s9+$0x0], $0xffff  }
0x3e: {  	v25 =	vld.idx.msk [tilespmem:v25+s9+$0x0], $0xffff  }
0x3f: {  	v24 =	vld.idx.msk [tilespmem:v24+s9+$0x0], $0xffff  }
0x40: {  	v51 =	vld [tilespmem:$0x1F400]  }
0x41: {  	v61 =	vld [tilespmem:$0x1F450]  }
0x42: {  	v62 =	vld [tilespmem:$0x1F460]  }
0x43: {  	v63 =	vld [tilespmem:$0x1F470]  }
0x44: {  	v22 =	vld.idx.msk [tilespmem:v22+s2+$0x0], $0xffff  }
0x45: {  	v23 =	vld.idx.msk [tilespmem:v23+s2+$0x0], $0xffff  }
0x46: {  	v26 =	vld.idx.msk [tilespmem:v26+s2+$0x0], $0xffff  }
0x47: {  	v29 =	vld.idx.msk [tilespmem:v29+s2+$0x0], $0xffff  }
0x48: {  	v17 =	vadd.f32 v20, v17;
	v14 =	vadd.f32 v19, v14;
	v28 =	vld.idx.msk [tilespmem:v28+s2+$0x0], $0xffff  }
0x49: {  	v11 =	vadd.f32 v11, v12;
	v8 =	vadd.f32 v22, v8;
	v25 =	vld.idx.msk [tilespmem:v25+s2+$0x0], $0xffff  }
0x4a: {  	v18 =	vadd.f32 v21, v18;
	v50 =	vld.idx.msk [tilespmem:v24+s2+$0x0], $0xffff;
	v9 =	vadd.f32 v23, v9  }
0x4b: {  	v15 =	vadd.f32 v16, v15;
	v27 =	vld.idx.msk [tilespmem:v27+s2+$0x0], $0xffff;
	v11 =	vadd.f32 v26, v11;
	v8 =	vmul.f32 $4.999999890e-03, v8  }
0x4c: {  	v52 =	vld [tilespmem:$0x1F410];
	v10 =	vadd.f32 v13, v10;
	v9 =	vmul.f32 $4.999999890e-03, v9;
	v18 =	vadd.f32 v29, v18  }
0x4d: {  	v54 =	vld [tilespmem:$0x1F420];
	v11 =	vmul.f32 $4.999999890e-03, v11;
	v8 =	vadd.f32 v63, v8;
	v53 =	vadd.f32 v28, v17  }
0x4e: {  	v57 =	vld [tilespmem:$0x1F430];
	v9 =	vadd.f32 v62, v9;
	v55 =	vadd.f32 v25, v14;
	v56 =	vmul.f32 $4.999999890e-03, v18  }
0x4f: {  	v60 =	vld [tilespmem:$0x1F440];
	v58 =	vadd.f32 v50, v15;
	v11 =	vadd.f32 v61, v11;
	[tilespmem:$0x1F4F0] =	vst v8;
	v59 =	vmul.f32 $4.999999890e-03, v53  }
0x50: {  	v10 =	vadd.f32 v27, v10;
	[tilespmem:$0x1F4E0] =	vst v9;
	v13 =	vmul.f32 $4.999999890e-03, v55;
	v14 =	vadd.f32 v51, v56  }
0x51: {  	v12 =	vmul.f32 $4.999999890e-03, v58;
	[tilespmem:$0x1F4D0] =	vst v11;
	v15 =	vadd.f32 v52, v59  }
0x52: {  	v10 =	vmul.f32 $4.999999890e-03, v10;
	v13 =	vadd.f32 v54, v13;
	[tilespmem:$0x1F480] =	vst v14  }
0x53: {  	v12 =	vadd.f32 v57, v12;
	[tilespmem:$0x1F490] =	vst v15  }
0x54: {  	s12 =	sadd.s32 $0x1, s12;
	v10 =	vadd.f32 v60, v10;
	[tilespmem:$0x1F4A0] =	vst v13  }
0x55: {  	p0 =	sne.s32 s12, s7;
	[tilespmem:$0x1F4B0] =	vst v12  }
.Ltmp1:
0x56: {  	[tilespmem:$0x1F4C0] =	vst v10;
	(pc) =	sbr.rel @p0 .LBB2_1-.Ltmp1, $4  }
0x57: {  	[hbm4b:s6+s2] =	stream.linear.scatter [tilespmem:s11], [sflag:$0x1], $0x80, $0x38;
	[tilespmem:$0x1F500] =	vst v63  }
0x58: {  	_ =	swait.ge [sflag:s8], $0x80  }
0x59: {  	[sflag:s8] =	ssyncset.done $0x0  }
0x5a: {  	[sflag:s8] =	ssyncadd.s32 $0xFFFFFF80  }
0x5b: {  	_ =	sfence.sel $0x180000  }
0x5c: {  	[bflag:$0x0] =	sbarrier.arrive $0xFFFF  }
0x5d: {  	p0 =	sne.s32 s0, $0x0;
	_ =	strace $0x90000047  }
0x5e: {  	s0 =	sadd.s32 @!p0 $0x100000, s1;
	[bflag:$0x2] =	sbarrier.arrive $0xFFFF  }
0x5f: {  	[sflag:s0] =	ssyncadd.tile.s32 @!p0 $0x1;
	_ =	shalt  }
.Lfunc_end2:
_tile_overlayer_lowered:
.L_overlay_start_2:
0x60: {  	(tag) =	ssettag $0x2  }
0x61: {  	s0 =	rddreg [dreg:$0x0];
	s2 =	stileid.u32  }
0x62: {  	s1 =	rddreg [dreg:$0x1];
	p0 =	sne.s32 s2, $0x0  }
0x63: {  	s3 =	rddreg [dreg:$0x2];
	[bflag:$0x3] =	sbarrier.arrive $0xFFFF;
	s2 =	simm.s32 @!p0 $0x1C01  }
0x64: {  	[timem:s3], [sflag:s2] =	dma.local @!p0 [hbm:s0], s1  }
0x65: {  	s0 =	simm.s32 @!p0 $0x1  }
0x66: {  	_ =	swait.ge @!p0 [sflag:s0], s1  }
0x67: {  	s1 =	ssub.s32 @!p0 $0x0, s1;
	[sflag:s0] =	ssyncset.done @!p0 $0x0  }
0x68: {  	[sflag:s0] =	ssyncadd.s32 @!p0 s1  }
0x69: {  	[bflag:$0x3] =	sbarrier.arrive $0xFFFF  }
0x6a: {  	_ =	shalt  }

</sc_bundles>
